<compile_context>
chip_gen: v7x
topology: tpu7x:2x2x1
jax: 0.10.2.dev20260603
libtpu: 0.0.44.dev20260713+nightly
codegen_flags: <defaults>
</compile_context>

<pallas_src>
import functools

import jax
import jax.numpy as jnp
from jax import lax
from jax.experimental import pallas as pl
from jax.experimental.pallas import tpu as pltpu
from jax.experimental.pallas import tpu_sc as plsc

G0 = 256
G1 = 256
D = 256
NUM_WORKERS = 32
ROWS_PER_WORKER = G0 // NUM_WORKERS
S_ROWS = 2 * G0 - 1
W_ROWS = G1 + ROWS_PER_WORKER - 1


def _stage_body(vals_ref, s_ref):
    rows = jax.lax.broadcasted_iota(jnp.int32, (S_ROWS, 1), 0)
    s_ref[...] = jnp.where(rows < (G0 - 1),
                           vals_ref[0, :][None, :],
                           vals_ref[1, :][None, :])


_stage = pl.pallas_call(
    _stage_body,
    out_shape=jax.ShapeDtypeStruct((S_ROWS, D), jnp.float32),
)


def _sc_body(s_hbm, out_hbm, s_v, sem):
    wid = lax.axis_index("s") * 2 + lax.axis_index("c")
    base = wid * ROWS_PER_WORKER
    pltpu.sync_copy(s_hbm.at[pl.ds(base * D, W_ROWS * D)], s_v)
    copies = [
        pltpu.async_copy(s_v.at[pl.ds(j * D, G1 * D)], out_hbm.at[base + j], sem)
        for j in range(ROWS_PER_WORKER)
    ]
    for c in copies:
        c.wait()


_sc_fill = functools.partial(
    pl.kernel,
    out_type=jax.ShapeDtypeStruct((G0, G1 * D), jnp.float32),
    mesh=plsc.VectorSubcoreMesh(core_axis_name="c", subcore_axis_name="s"),
    scratch_types=[
        pltpu.VMEM((W_ROWS * D,), jnp.float32),
        pltpu.SemaphoreType.DMA,
    ],
)(_sc_body)


def kernel(left_to_right, right_to_left, top_to_bottom, bottom_to_top,
           top_left_to_bottom_right, bottom_right_to_top_left,
           bottom_left_to_top_right, top_right_to_bottom_left):
    vals = jnp.stack([bottom_left_to_top_right, top_right_to_bottom_left])
    s = _stage(vals).reshape(S_ROWS * D)
    out = _sc_fill(s)
    return out.reshape(G0, G1, D)

# --- scband reference (transcript-rebuilt; emitter-appended) ---
"""Pipeline reference for scband-patch-reconstructor-77300821394090 (READ-ONLY COPY).

The authoritative reference and input builder live on the scoring server;
editing this copy changes nothing except your own understanding.
"""

import jax, jax.numpy as jnp
import numpy as np

G0 = 256
G1 = 256
D = 256


def setup_inputs(seed: int = 0) -> dict:
    key = jax.random.key(seed)
    ks = jax.random.split(key, 8)
    return {
        "left_to_right": jax.random.normal(ks[0], (G1, D), dtype=jnp.float32),
        "right_to_left": jax.random.normal(ks[1], (G0, G1), dtype=jnp.float32),
        "top_to_bottom": jax.random.normal(ks[2], (G1, G0, D), dtype=jnp.float32),
        "bottom_to_top": jax.random.normal(ks[3], (G1, G0, D), dtype=jnp.float32),
        "top_left_to_bottom_right": jax.random.normal(ks[4], (D,), dtype=jnp.float32),
        "bottom_right_to_top_left": jax.random.normal(ks[5], (D,), dtype=jnp.float32),
        "bottom_left_to_top_right": jax.random.normal(ks[6], (D,), dtype=jnp.float32),
        "top_right_to_bottom_left": jax.random.normal(ks[7], (D,), dtype=jnp.float32),
    }


def reference(left_to_right, right_to_left, top_to_bottom, bottom_to_top,
              top_left_to_bottom_right, bottom_right_to_top_left,
              bottom_left_to_top_right, top_right_to_bottom_left):
    # Sequential-assignment semantics of PatchReconstructor.reconstruct, with each
    # python loop replaced by its exact net-effect scatter (values identical per index,
    # so the union of the loop's index sets with a single set() is equivalent).
    rec = jnp.zeros((G0, G1, D), dtype=jnp.float32)
    # reconstructed[0, :] = left_to_right.view(grid_w, -1)
    rec = rec.at[0, :].set(left_to_right.reshape(G1, -1))
    # reconstructed[:, -1] = right_to_left.view(-1, grid_w)[:, ::-1]
    rec = rec.at[:, -1].set(right_to_left.reshape(-1, G1)[:, ::-1])
    # for i: reconstructed[:, i] = top_to_bottom[i]  -> full overwrite
    rec = jnp.transpose(top_to_bottom, (1, 0, 2))
    # for i: reconstructed[::-1, i] = bottom_to_top[i]  -> rec[:, i] = bottom_to_top[i][::-1]
    rec = jnp.transpose(bottom_to_top[:, ::-1, :], (1, 0, 2))
    # for i: indices = range(i, G0); rec[indices, indices] = tl_br  (union = main diagonal)
    diag = jnp.arange(G0)
    rec = rec.at[diag, diag].set(top_left_to_bottom_right)
    r = jnp.arange(G0)[:, None]
    c = jnp.arange(G1)[None, :]
    # for i: indices = range(G0-i-1); rec[indices, indices[::-1]] = br_tl
    # union = all (r, c) with r + c <= G0 - 2 (strict upper-left anti-triangle)
    rec = jnp.where(((r + c) <= (G0 - 2))[:, :, None], bottom_right_to_top_left[None, None, :], rec)
    # for i: indices = range(G0-i-1); rec[::-1, indices] = bl_tr
    # union = all rows, columns 0..G0-2
    rec = rec.at[:, :G1 - 1, :].set(bottom_left_to_top_right)
    # for i: indices = range(i, G0); rec[indices, indices[::-1]] = tr_bl
    # union = all (r, c) with r + c >= G0 - 1 (lower-right anti-triangle)
    rec = jnp.where(((r + c) >= (G0 - 1))[:, :, None], top_right_to_bottom_left[None, None, :], rec)
    return rec

if __name__ == "__main__":
    import jax
    _d = setup_inputs()
    print(jax.jit(kernel)(*tuple(_d.values())))

</pallas_src>

<mosaic_0001>
#map = affine_map<(d0, d1) -> (0)>
#map1 = affine_map<(d0, d1) -> (0, 0)>
module attributes {stable_mosaic.version = 14 : i64} {
  func.func @_sc_body(%arg0: i32, %arg1: i32, %arg2: memref<130816xf32, #tpu.memory_space<hbm>>, %arg3: memref<256x65536xf32, #tpu.memory_space<hbm>>, %arg4: memref<67328xf32, #tpu.memory_space<vmem>>, %arg5: memref<!tpu.dma_semaphore, #tpu.memory_space<semaphore_mem>>) attributes {dimension_semantics = [#tpu.dimension_semantics<core_parallel>, #tpu.dimension_semantics<subcore_parallel>], iteration_bounds = array<i64: 2, 16>, scalar_prefetch = 0 : i64, scratch_operands = 2 : i64, tpu.core_type = #tpu.core_type<sc_vector_subcore>, window_params = [{transform_indices = #map}, {transform_indices = #map1}]} {
    %mul3A = arith.constant 2 : i32
    %mul3A_0 = arith.muli %arg1, %mul3A : i32
    %add3A = arith.addi %mul3A_0, %arg0 : i32
    %mul3A_1 = arith.constant 8 : i32
    %mul3A_2 = arith.muli %add3A, %mul3A_1 : i32
    %mul3A_3 = arith.constant 256 : i32
    %mul3A_4 = arith.muli %mul3A_2, %mul3A_3 : i32
    "tpu.region"() ({
      %run_scoped3A = tpu.sem_alloc : memref<!tpu.dma_semaphore, #tpu.memory_space<semaphore_mem>>
      %dma_start3A_179 = tpu.memref_slice %arg2[%mul3A_4] : memref<130816xf32, #tpu.memory_space<hbm>> -> memref<67328xf32, #tpu.memory_space<hbm>>
      %dma_start3A_180 = tpu.memref_slice %arg2[%mul3A_4] : memref<130816xf32, #tpu.memory_space<hbm>> -> memref<67328xf32, #tpu.memory_space<hbm>>
      tpu.enqueue_dma source(%dma_start3A_180 : memref<67328xf32, #tpu.memory_space<hbm>>) target(%arg4 : memref<67328xf32, #tpu.memory_space<vmem>>) target_semaphore(%run_scoped3A : memref<!tpu.dma_semaphore, #tpu.memory_space<semaphore_mem>>)
      %dma_wait3A_181 = tpu.memref_slice %arg2[%mul3A_4] : memref<130816xf32, #tpu.memory_space<hbm>> -> memref<67328xf32, #tpu.memory_space<hbm>>
      %dma_wait3A_182 = tpu.memref_slice %arg2[%mul3A_4] : memref<130816xf32, #tpu.memory_space<hbm>> -> memref<67328xf32, #tpu.memory_space<hbm>>
      tpu.wait_dma2 semaphore(%run_scoped3A : memref<!tpu.dma_semaphore, #tpu.memory_space<semaphore_mem>>) src(%dma_wait3A_182 : memref<67328xf32, #tpu.memory_space<hbm>>) dst(%arg4 : memref<67328xf32, #tpu.memory_space<vmem>>)
      tpu.yield
    }) : () -> ()
    %add3A_5 = arith.constant 0 : i32
    %add3A_6 = arith.addi %mul3A_2, %add3A_5 : i32
    %dma_start3A = arith.constant 0 : i32
    %dma_start3A_7 = tpu.memref_slice %arg4[%dma_start3A] : memref<67328xf32, #tpu.memory_space<vmem>> -> memref<65536xf32, #tpu.memory_space<vmem>>
    %dma_start3A_8 = arith.constant 0 : i32
    %dma_start3A_9 = tpu.memref_slice %arg3[%add3A_6, %dma_start3A_8] : memref<256x65536xf32, #tpu.memory_space<hbm>> -> memref<1x65536xf32, #tpu.memory_space<hbm>>
    %dma_start3A_10 = tpu.memref_squeeze %dma_start3A_9 : memref<1x65536xf32, #tpu.memory_space<hbm>> -> memref<65536xf32, #tpu.memory_space<hbm>>
    %dma_start3A_11 = arith.constant 0 : i32
    %dma_start3A_12 = tpu.memref_slice %arg3[%add3A_6, %dma_start3A_11] : memref<256x65536xf32, #tpu.memory_space<hbm>> -> memref<1x65536xf32, #tpu.memory_space<hbm>>
    %dma_start3A_13 = tpu.memref_squeeze %dma_start3A_12 : memref<1x65536xf32, #tpu.memory_space<hbm>> -> memref<65536xf32, #tpu.memory_space<hbm>>
    %dma_start3A_14 = arith.constant 0 : i32
    %dma_start3A_15 = tpu.memref_slice %arg4[%dma_start3A_14] : memref<67328xf32, #tpu.memory_space<vmem>> -> memref<65536xf32, #tpu.memory_space<vmem>>
    tpu.enqueue_dma source(%dma_start3A_15 : memref<65536xf32, #tpu.memory_space<vmem>>) target(%dma_start3A_13 : memref<65536xf32, #tpu.memory_space<hbm>>) target_semaphore(%arg5 : memref<!tpu.dma_semaphore, #tpu.memory_space<semaphore_mem>>)
    %add3A_16 = arith.constant 1 : i32
    %add3A_17 = arith.addi %mul3A_2, %add3A_16 : i32
    %dma_start3A_18 = arith.constant 256 : i32
    %dma_start3A_19 = tpu.memref_slice %arg4[%dma_start3A_18] : memref<67328xf32, #tpu.memory_space<vmem>> -> memref<65536xf32, #tpu.memory_space<vmem>>
    %dma_start3A_20 = arith.constant 0 : i32
    %dma_start3A_21 = tpu.memref_slice %arg3[%add3A_17, %dma_start3A_20] : memref<256x65536xf32, #tpu.memory_space<hbm>> -> memref<1x65536xf32, #tpu.memory_space<hbm>>
    %dma_start3A_22 = tpu.memref_squeeze %dma_start3A_21 : memref<1x65536xf32, #tpu.memory_space<hbm>> -> memref<65536xf32, #tpu.memory_space<hbm>>
    %dma_start3A_23 = arith.constant 0 : i32
    %dma_start3A_24 = tpu.memref_slice %arg3[%add3A_17, %dma_start3A_23] : memref<256x65536xf32, #tpu.memory_space<hbm>> -> memref<1x65536xf32, #tpu.memory_space<hbm>>
    %dma_start3A_25 = tpu.memref_squeeze %dma_start3A_24 : memref<1x65536xf32, #tpu.memory_space<hbm>> -> memref<65536xf32, #tpu.memory_space<hbm>>
    %dma_start3A_26 = arith.constant 256 : i32
    %dma_start3A_27 = tpu.memref_slice %arg4[%dma_start3A_26] : memref<67328xf32, #tpu.memory_space<vmem>> -> memref<65536xf32, #tpu.memory_space<vmem>>
    tpu.enqueue_dma source(%dma_start3A_27 : memref<65536xf32, #tpu.memory_space<vmem>>) target(%dma_start3A_25 : memref<65536xf32, #tpu.memory_space<hbm>>) target_semaphore(%arg5 : memref<!tpu.dma_semaphore, #tpu.memory_space<semaphore_mem>>)
    %add3A_28 = arith.constant 2 : i32
    %add3A_29 = arith.addi %mul3A_2, %add3A_28 : i32
    %dma_start3A_30 = arith.constant 512 : i32
    %dma_start3A_31 = tpu.memref_slice %arg4[%dma_start3A_30] : memref<67328xf32, #tpu.memory_space<vmem>> -> memref<65536xf32, #tpu.memory_space<vmem>>
    %dma_start3A_32 = arith.constant 0 : i32
    %dma_start3A_33 = tpu.memref_slice %arg3[%add3A_29, %dma_start3A_32] : memref<256x65536xf32, #tpu.memory_space<hbm>> -> memref<1x65536xf32, #tpu.memory_space<hbm>>
    %dma_start3A_34 = tpu.memref_squeeze %dma_start3A_33 : memref<1x65536xf32, #tpu.memory_space<hbm>> -> memref<65536xf32, #tpu.memory_space<hbm>>
    %dma_start3A_35 = arith.constant 0 : i32
    %dma_start3A_36 = tpu.memref_slice %arg3[%add3A_29, %dma_start3A_35] : memref<256x65536xf32, #tpu.memory_space<hbm>> -> memref<1x65536xf32, #tpu.memory_space<hbm>>
    %dma_start3A_37 = tpu.memref_squeeze %dma_start3A_36 : memref<1x65536xf32, #tpu.memory_space<hbm>> -> memref<65536xf32, #tpu.memory_space<hbm>>
    %dma_start3A_38 = arith.constant 512 : i32
    %dma_start3A_39 = tpu.memref_slice %arg4[%dma_start3A_38] : memref<67328xf32, #tpu.memory_space<vmem>> -> memref<65536xf32, #tpu.memory_space<vmem>>
    tpu.enqueue_dma source(%dma_start3A_39 : memref<65536xf32, #tpu.memory_space<vmem>>) target(%dma_start3A_37 : memref<65536xf32, #tpu.memory_space<hbm>>) target_semaphore(%arg5 : memref<!tpu.dma_semaphore, #tpu.memory_space<semaphore_mem>>)
    %add3A_40 = arith.constant 3 : i32
    %add3A_41 = arith.addi %mul3A_2, %add3A_40 : i32
    %dma_start3A_42 = arith.constant 768 : i32
    %dma_start3A_43 = tpu.memref_slice %arg4[%dma_start3A_42] : memref<67328xf32, #tpu.memory_space<vmem>> -> memref<65536xf32, #tpu.memory_space<vmem>>
    %dma_start3A_44 = arith.constant 0 : i32
    %dma_start3A_45 = tpu.memref_slice %arg3[%add3A_41, %dma_start3A_44] : memref<256x65536xf32, #tpu.memory_space<hbm>> -> memref<1x65536xf32, #tpu.memory_space<hbm>>
    %dma_start3A_46 = tpu.memref_squeeze %dma_start3A_45 : memref<1x65536xf32, #tpu.memory_space<hbm>> -> memref<65536xf32, #tpu.memory_space<hbm>>
    %dma_start3A_47 = arith.constant 0 : i32
    %dma_start3A_48 = tpu.memref_slice %arg3[%add3A_41, %dma_start3A_47] : memref<256x65536xf32, #tpu.memory_space<hbm>> -> memref<1x65536xf32, #tpu.memory_space<hbm>>
    %dma_start3A_49 = tpu.memref_squeeze %dma_start3A_48 : memref<1x65536xf32, #tpu.memory_space<hbm>> -> memref<65536xf32, #tpu.memory_space<hbm>>
    %dma_start3A_50 = arith.constant 768 : i32
    %dma_start3A_51 = tpu.memref_slice %arg4[%dma_start3A_50] : memref<67328xf32, #tpu.memory_space<vmem>> -> memref<65536xf32, #tpu.memory_space<vmem>>
    tpu.enqueue_dma source(%dma_start3A_51 : memref<65536xf32, #tpu.memory_space<vmem>>) target(%dma_start3A_49 : memref<65536xf32, #tpu.memory_space<hbm>>) target_semaphore(%arg5 : memref<!tpu.dma_semaphore, #tpu.memory_space<semaphore_mem>>)
    %add3A_52 = arith.constant 4 : i32
    %add3A_53 = arith.addi %mul3A_2, %add3A_52 : i32
    %dma_start3A_54 = arith.constant 1024 : i32
    %dma_start3A_55 = tpu.memref_slice %arg4[%dma_start3A_54] : memref<67328xf32, #tpu.memory_space<vmem>> -> memref<65536xf32, #tpu.memory_space<vmem>>
    %dma_start3A_56 = arith.constant 0 : i32
    %dma_start3A_57 = tpu.memref_slice %arg3[%add3A_53, %dma_start3A_56] : memref<256x65536xf32, #tpu.memory_space<hbm>> -> memref<1x65536xf32, #tpu.memory_space<hbm>>
    %dma_start3A_58 = tpu.memref_squeeze %dma_start3A_57 : memref<1x65536xf32, #tpu.memory_space<hbm>> -> memref<65536xf32, #tpu.memory_space<hbm>>
    %dma_start3A_59 = arith.constant 0 : i32
    %dma_start3A_60 = tpu.memref_slice %arg3[%add3A_53, %dma_start3A_59] : memref<256x65536xf32, #tpu.memory_space<hbm>> -> memref<1x65536xf32, #tpu.memory_space<hbm>>
    %dma_start3A_61 = tpu.memref_squeeze %dma_start3A_60 : memref<1x65536xf32, #tpu.memory_space<hbm>> -> memref<65536xf32, #tpu.memory_space<hbm>>
    %dma_start3A_62 = arith.constant 1024 : i32
    %dma_start3A_63 = tpu.memref_slice %arg4[%dma_start3A_62] : memref<67328xf32, #tpu.memory_space<vmem>> -> memref<65536xf32, #tpu.memory_space<vmem>>
    tpu.enqueue_dma source(%dma_start3A_63 : memref<65536xf32, #tpu.memory_space<vmem>>) target(%dma_start3A_61 : memref<65536xf32, #tpu.memory_space<hbm>>) target_semaphore(%arg5 : memref<!tpu.dma_semaphore, #tpu.memory_space<semaphore_mem>>)
    %add3A_64 = arith.constant 5 : i32
    %add3A_65 = arith.addi %mul3A_2, %add3A_64 : i32
    %dma_start3A_66 = arith.constant 1280 : i32
    %dma_start3A_67 = tpu.memref_slice %arg4[%dma_start3A_66] : memref<67328xf32, #tpu.memory_space<vmem>> -> memref<65536xf32, #tpu.memory_space<vmem>>
    %dma_start3A_68 = arith.constant 0 : i32
    %dma_start3A_69 = tpu.memref_slice %arg3[%add3A_65, %dma_start3A_68] : memref<256x65536xf32, #tpu.memory_space<hbm>> -> memref<1x65536xf32, #tpu.memory_space<hbm>>
    %dma_start3A_70 = tpu.memref_squeeze %dma_start3A_69 : memref<1x65536xf32, #tpu.memory_space<hbm>> -> memref<65536xf32, #tpu.memory_space<hbm>>
    %dma_start3A_71 = arith.constant 0 : i32
    %dma_start3A_72 = tpu.memref_slice %arg3[%add3A_65, %dma_start3A_71] : memref<256x65536xf32, #tpu.memory_space<hbm>> -> memref<1x65536xf32, #tpu.memory_space<hbm>>
    %dma_start3A_73 = tpu.memref_squeeze %dma_start3A_72 : memref<1x65536xf32, #tpu.memory_space<hbm>> -> memref<65536xf32, #tpu.memory_space<hbm>>
    %dma_start3A_74 = arith.constant 1280 : i32
    %dma_start3A_75 = tpu.memref_slice %arg4[%dma_start3A_74] : memref<67328xf32, #tpu.memory_space<vmem>> -> memref<65536xf32, #tpu.memory_space<vmem>>
    tpu.enqueue_dma source(%dma_start3A_75 : memref<65536xf32, #tpu.memory_space<vmem>>) target(%dma_start3A_73 : memref<65536xf32, #tpu.memory_space<hbm>>) target_semaphore(%arg5 : memref<!tpu.dma_semaphore, #tpu.memory_space<semaphore_mem>>)
    %add3A_76 = arith.constant 6 : i32
    %add3A_77 = arith.addi %mul3A_2, %add3A_76 : i32
    %dma_start3A_78 = arith.constant 1536 : i32
    %dma_start3A_79 = tpu.memref_slice %arg4[%dma_start3A_78] : memref<67328xf32, #tpu.memory_space<vmem>> -> memref<65536xf32, #tpu.memory_space<vmem>>
    %dma_start3A_80 = arith.constant 0 : i32
    %dma_start3A_81 = tpu.memref_slice %arg3[%add3A_77, %dma_start3A_80] : memref<256x65536xf32, #tpu.memory_space<hbm>> -> memref<1x65536xf32, #tpu.memory_space<hbm>>
    %dma_start3A_82 = tpu.memref_squeeze %dma_start3A_81 : memref<1x65536xf32, #tpu.memory_space<hbm>> -> memref<65536xf32, #tpu.memory_space<hbm>>
    %dma_start3A_83 = arith.constant 0 : i32
    %dma_start3A_84 = tpu.memref_slice %arg3[%add3A_77, %dma_start3A_83] : memref<256x65536xf32, #tpu.memory_space<hbm>> -> memref<1x65536xf32, #tpu.memory_space<hbm>>
    %dma_start3A_85 = tpu.memref_squeeze %dma_start3A_84 : memref<1x65536xf32, #tpu.memory_space<hbm>> -> memref<65536xf32, #tpu.memory_space<hbm>>
    %dma_start3A_86 = arith.constant 1536 : i32
    %dma_start3A_87 = tpu.memref_slice %arg4[%dma_start3A_86] : memref<67328xf32, #tpu.memory_space<vmem>> -> memref<65536xf32, #tpu.memory_space<vmem>>
    tpu.enqueue_dma source(%dma_start3A_87 : memref<65536xf32, #tpu.memory_space<vmem>>) target(%dma_start3A_85 : memref<65536xf32, #tpu.memory_space<hbm>>) target_semaphore(%arg5 : memref<!tpu.dma_semaphore, #tpu.memory_space<semaphore_mem>>)
    %add3A_88 = arith.constant 7 : i32
    %add3A_89 = arith.addi %mul3A_2, %add3A_88 : i32
    %dma_start3A_90 = arith.constant 1792 : i32
    %dma_start3A_91 = tpu.memref_slice %arg4[%dma_start3A_90] : memref<67328xf32, #tpu.memory_space<vmem>> -> memref<65536xf32, #tpu.memory_space<vmem>>
    %dma_start3A_92 = arith.constant 0 : i32
    %dma_start3A_93 = tpu.memref_slice %arg3[%add3A_89, %dma_start3A_92] : memref<256x65536xf32, #tpu.memory_space<hbm>> -> memref<1x65536xf32, #tpu.memory_space<hbm>>
    %dma_start3A_94 = tpu.memref_squeeze %dma_start3A_93 : memref<1x65536xf32, #tpu.memory_space<hbm>> -> memref<65536xf32, #tpu.memory_space<hbm>>
    %dma_start3A_95 = arith.constant 0 : i32
    %dma_start3A_96 = tpu.memref_slice %arg3[%add3A_89, %dma_start3A_95] : memref<256x65536xf32, #tpu.memory_space<hbm>> -> memref<1x65536xf32, #tpu.memory_space<hbm>>
    %dma_start3A_97 = tpu.memref_squeeze %dma_start3A_96 : memref<1x65536xf32, #tpu.memory_space<hbm>> -> memref<65536xf32, #tpu.memory_space<hbm>>
    %dma_start3A_98 = arith.constant 1792 : i32
    %dma_start3A_99 = tpu.memref_slice %arg4[%dma_start3A_98] : memref<67328xf32, #tpu.memory_space<vmem>> -> memref<65536xf32, #tpu.memory_space<vmem>>
    tpu.enqueue_dma source(%dma_start3A_99 : memref<65536xf32, #tpu.memory_space<vmem>>) target(%dma_start3A_97 : memref<65536xf32, #tpu.memory_space<hbm>>) target_semaphore(%arg5 : memref<!tpu.dma_semaphore, #tpu.memory_space<semaphore_mem>>)
    %dma_wait3A = arith.constant 0 : i32
    %dma_wait3A_100 = tpu.memref_slice %arg4[%dma_wait3A] : memref<67328xf32, #tpu.memory_space<vmem>> -> memref<65536xf32, #tpu.memory_space<vmem>>
    %dma_wait3A_101 = arith.constant 0 : i32
    %dma_wait3A_102 = tpu.memref_slice %arg3[%add3A_6, %dma_wait3A_101] : memref<256x65536xf32, #tpu.memory_space<hbm>> -> memref<1x65536xf32, #tpu.memory_space<hbm>>
    %dma_wait3A_103 = tpu.memref_squeeze %dma_wait3A_102 : memref<1x65536xf32, #tpu.memory_space<hbm>> -> memref<65536xf32, #tpu.memory_space<hbm>>
    %dma_wait3A_104 = arith.constant 0 : i32
    %dma_wait3A_105 = tpu.memref_slice %arg3[%add3A_6, %dma_wait3A_104] : memref<256x65536xf32, #tpu.memory_space<hbm>> -> memref<1x65536xf32, #tpu.memory_space<hbm>>
    %dma_wait3A_106 = tpu.memref_squeeze %dma_wait3A_105 : memref<1x65536xf32, #tpu.memory_space<hbm>> -> memref<65536xf32, #tpu.memory_space<hbm>>
    %dma_wait3A_107 = arith.constant 0 : i32
    %dma_wait3A_108 = tpu.memref_slice %arg4[%dma_wait3A_107] : memref<67328xf32, #tpu.memory_space<vmem>> -> memref<65536xf32, #tpu.memory_space<vmem>>
    tpu.wait_dma2 semaphore(%arg5 : memref<!tpu.dma_semaphore, #tpu.memory_space<semaphore_mem>>) src(%dma_wait3A_108 : memref<65536xf32, #tpu.memory_space<vmem>>) dst(%dma_wait3A_106 : memref<65536xf32, #tpu.memory_space<hbm>>)
    %dma_wait3A_109 = arith.constant 256 : i32
    %dma_wait3A_110 = tpu.memref_slice %arg4[%dma_wait3A_109] : memref<67328xf32, #tpu.memory_space<vmem>> -> memref<65536xf32, #tpu.memory_space<vmem>>
    %dma_wait3A_111 = arith.constant 0 : i32
    %dma_wait3A_112 = tpu.memref_slice %arg3[%add3A_17, %dma_wait3A_111] : memref<256x65536xf32, #tpu.memory_space<hbm>> -> memref<1x65536xf32, #tpu.memory_space<hbm>>
    %dma_wait3A_113 = tpu.memref_squeeze %dma_wait3A_112 : memref<1x65536xf32, #tpu.memory_space<hbm>> -> memref<65536xf32, #tpu.memory_space<hbm>>
    %dma_wait3A_114 = arith.constant 0 : i32
    %dma_wait3A_115 = tpu.memref_slice %arg3[%add3A_17, %dma_wait3A_114] : memref<256x65536xf32, #tpu.memory_space<hbm>> -> memref<1x65536xf32, #tpu.memory_space<hbm>>
    %dma_wait3A_116 = tpu.memref_squeeze %dma_wait3A_115 : memref<1x65536xf32, #tpu.memory_space<hbm>> -> memref<65536xf32, #tpu.memory_space<hbm>>
    %dma_wait3A_117 = arith.constant 256 : i32
    %dma_wait3A_118 = tpu.memref_slice %arg4[%dma_wait3A_117] : memref<67328xf32, #tpu.memory_space<vmem>> -> memref<65536xf32, #tpu.memory_space<vmem>>
    tpu.wait_dma2 semaphore(%arg5 : memref<!tpu.dma_semaphore, #tpu.memory_space<semaphore_mem>>) src(%dma_wait3A_118 : memref<65536xf32, #tpu.memory_space<vmem>>) dst(%dma_wait3A_116 : memref<65536xf32, #tpu.memory_space<hbm>>)
    %dma_wait3A_119 = arith.constant 512 : i32
    %dma_wait3A_120 = tpu.memref_slice %arg4[%dma_wait3A_119] : memref<67328xf32, #tpu.memory_space<vmem>> -> memref<65536xf32, #tpu.memory_space<vmem>>
    %dma_wait3A_121 = arith.constant 0 : i32
    %dma_wait3A_122 = tpu.memref_slice %arg3[%add3A_29, %dma_wait3A_121] : memref<256x65536xf32, #tpu.memory_space<hbm>> -> memref<1x65536xf32, #tpu.memory_space<hbm>>
    %dma_wait3A_123 = tpu.memref_squeeze %dma_wait3A_122 : memref<1x65536xf32, #tpu.memory_space<hbm>> -> memref<65536xf32, #tpu.memory_space<hbm>>
    %dma_wait3A_124 = arith.constant 0 : i32
    %dma_wait3A_125 = tpu.memref_slice %arg3[%add3A_29, %dma_wait3A_124] : memref<256x65536xf32, #tpu.memory_space<hbm>> -> memref<1x65536xf32, #tpu.memory_space<hbm>>
    %dma_wait3A_126 = tpu.memref_squeeze %dma_wait3A_125 : memref<1x65536xf32, #tpu.memory_space<hbm>> -> memref<65536xf32, #tpu.memory_space<hbm>>
    %dma_wait3A_127 = arith.constant 512 : i32
    %dma_wait3A_128 = tpu.memref_slice %arg4[%dma_wait3A_127] : memref<67328xf32, #tpu.memory_space<vmem>> -> memref<65536xf32, #tpu.memory_space<vmem>>
    tpu.wait_dma2 semaphore(%arg5 : memref<!tpu.dma_semaphore, #tpu.memory_space<semaphore_mem>>) src(%dma_wait3A_128 : memref<65536xf32, #tpu.memory_space<vmem>>) dst(%dma_wait3A_126 : memref<65536xf32, #tpu.memory_space<hbm>>)
    %dma_wait3A_129 = arith.constant 768 : i32
    %dma_wait3A_130 = tpu.memref_slice %arg4[%dma_wait3A_129] : memref<67328xf32, #tpu.memory_space<vmem>> -> memref<65536xf32, #tpu.memory_space<vmem>>
    %dma_wait3A_131 = arith.constant 0 : i32
    %dma_wait3A_132 = tpu.memref_slice %arg3[%add3A_41, %dma_wait3A_131] : memref<256x65536xf32, #tpu.memory_space<hbm>> -> memref<1x65536xf32, #tpu.memory_space<hbm>>
    %dma_wait3A_133 = tpu.memref_squeeze %dma_wait3A_132 : memref<1x65536xf32, #tpu.memory_space<hbm>> -> memref<65536xf32, #tpu.memory_space<hbm>>
    %dma_wait3A_134 = arith.constant 0 : i32
    %dma_wait3A_135 = tpu.memref_slice %arg3[%add3A_41, %dma_wait3A_134] : memref<256x65536xf32, #tpu.memory_space<hbm>> -> memref<1x65536xf32, #tpu.memory_space<hbm>>
    %dma_wait3A_136 = tpu.memref_squeeze %dma_wait3A_135 : memref<1x65536xf32, #tpu.memory_space<hbm>> -> memref<65536xf32, #tpu.memory_space<hbm>>
    %dma_wait3A_137 = arith.constant 768 : i32
    %dma_wait3A_138 = tpu.memref_slice %arg4[%dma_wait3A_137] : memref<67328xf32, #tpu.memory_space<vmem>> -> memref<65536xf32, #tpu.memory_space<vmem>>
    tpu.wait_dma2 semaphore(%arg5 : memref<!tpu.dma_semaphore, #tpu.memory_space<semaphore_mem>>) src(%dma_wait3A_138 : memref<65536xf32, #tpu.memory_space<vmem>>) dst(%dma_wait3A_136 : memref<65536xf32, #tpu.memory_space<hbm>>)
    %dma_wait3A_139 = arith.constant 1024 : i32
    %dma_wait3A_140 = tpu.memref_slice %arg4[%dma_wait3A_139] : memref<67328xf32, #tpu.memory_space<vmem>> -> memref<65536xf32, #tpu.memory_space<vmem>>
    %dma_wait3A_141 = arith.constant 0 : i32
    %dma_wait3A_142 = tpu.memref_slice %arg3[%add3A_53, %dma_wait3A_141] : memref<256x65536xf32, #tpu.memory_space<hbm>> -> memref<1x65536xf32, #tpu.memory_space<hbm>>
    %dma_wait3A_143 = tpu.memref_squeeze %dma_wait3A_142 : memref<1x65536xf32, #tpu.memory_space<hbm>> -> memref<65536xf32, #tpu.memory_space<hbm>>
    %dma_wait3A_144 = arith.constant 0 : i32
    %dma_wait3A_145 = tpu.memref_slice %arg3[%add3A_53, %dma_wait3A_144] : memref<256x65536xf32, #tpu.memory_space<hbm>> -> memref<1x65536xf32, #tpu.memory_space<hbm>>
    %dma_wait3A_146 = tpu.memref_squeeze %dma_wait3A_145 : memref<1x65536xf32, #tpu.memory_space<hbm>> -> memref<65536xf32, #tpu.memory_space<hbm>>
    %dma_wait3A_147 = arith.constant 1024 : i32
    %dma_wait3A_148 = tpu.memref_slice %arg4[%dma_wait3A_147] : memref<67328xf32, #tpu.memory_space<vmem>> -> memref<65536xf32, #tpu.memory_space<vmem>>
    tpu.wait_dma2 semaphore(%arg5 : memref<!tpu.dma_semaphore, #tpu.memory_space<semaphore_mem>>) src(%dma_wait3A_148 : memref<65536xf32, #tpu.memory_space<vmem>>) dst(%dma_wait3A_146 : memref<65536xf32, #tpu.memory_space<hbm>>)
    %dma_wait3A_149 = arith.constant 1280 : i32
    %dma_wait3A_150 = tpu.memref_slice %arg4[%dma_wait3A_149] : memref<67328xf32, #tpu.memory_space<vmem>> -> memref<65536xf32, #tpu.memory_space<vmem>>
    %dma_wait3A_151 = arith.constant 0 : i32
    %dma_wait3A_152 = tpu.memref_slice %arg3[%add3A_65, %dma_wait3A_151] : memref<256x65536xf32, #tpu.memory_space<hbm>> -> memref<1x65536xf32, #tpu.memory_space<hbm>>
    %dma_wait3A_153 = tpu.memref_squeeze %dma_wait3A_152 : memref<1x65536xf32, #tpu.memory_space<hbm>> -> memref<65536xf32, #tpu.memory_space<hbm>>
    %dma_wait3A_154 = arith.constant 0 : i32
    %dma_wait3A_155 = tpu.memref_slice %arg3[%add3A_65, %dma_wait3A_154] : memref<256x65536xf32, #tpu.memory_space<hbm>> -> memref<1x65536xf32, #tpu.memory_space<hbm>>
    %dma_wait3A_156 = tpu.memref_squeeze %dma_wait3A_155 : memref<1x65536xf32, #tpu.memory_space<hbm>> -> memref<65536xf32, #tpu.memory_space<hbm>>
    %dma_wait3A_157 = arith.constant 1280 : i32
    %dma_wait3A_158 = tpu.memref_slice %arg4[%dma_wait3A_157] : memref<67328xf32, #tpu.memory_space<vmem>> -> memref<65536xf32, #tpu.memory_space<vmem>>
    tpu.wait_dma2 semaphore(%arg5 : memref<!tpu.dma_semaphore, #tpu.memory_space<semaphore_mem>>) src(%dma_wait3A_158 : memref<65536xf32, #tpu.memory_space<vmem>>) dst(%dma_wait3A_156 : memref<65536xf32, #tpu.memory_space<hbm>>)
    %dma_wait3A_159 = arith.constant 1536 : i32
    %dma_wait3A_160 = tpu.memref_slice %arg4[%dma_wait3A_159] : memref<67328xf32, #tpu.memory_space<vmem>> -> memref<65536xf32, #tpu.memory_space<vmem>>
    %dma_wait3A_161 = arith.constant 0 : i32
    %dma_wait3A_162 = tpu.memref_slice %arg3[%add3A_77, %dma_wait3A_161] : memref<256x65536xf32, #tpu.memory_space<hbm>> -> memref<1x65536xf32, #tpu.memory_space<hbm>>
    %dma_wait3A_163 = tpu.memref_squeeze %dma_wait3A_162 : memref<1x65536xf32, #tpu.memory_space<hbm>> -> memref<65536xf32, #tpu.memory_space<hbm>>
    %dma_wait3A_164 = arith.constant 0 : i32
    %dma_wait3A_165 = tpu.memref_slice %arg3[%add3A_77, %dma_wait3A_164] : memref<256x65536xf32, #tpu.memory_space<hbm>> -> memref<1x65536xf32, #tpu.memory_space<hbm>>
    %dma_wait3A_166 = tpu.memref_squeeze %dma_wait3A_165 : memref<1x65536xf32, #tpu.memory_space<hbm>> -> memref<65536xf32, #tpu.memory_space<hbm>>
    %dma_wait3A_167 = arith.constant 1536 : i32
    %dma_wait3A_168 = tpu.memref_slice %arg4[%dma_wait3A_167] : memref<67328xf32, #tpu.memory_space<vmem>> -> memref<65536xf32, #tpu.memory_space<vmem>>
    tpu.wait_dma2 semaphore(%arg5 : memref<!tpu.dma_semaphore, #tpu.memory_space<semaphore_mem>>) src(%dma_wait3A_168 : memref<65536xf32, #tpu.memory_space<vmem>>) dst(%dma_wait3A_166 : memref<65536xf32, #tpu.memory_space<hbm>>)
    %dma_wait3A_169 = arith.constant 1792 : i32
    %dma_wait3A_170 = tpu.memref_slice %arg4[%dma_wait3A_169] : memref<67328xf32, #tpu.memory_space<vmem>> -> memref<65536xf32, #tpu.memory_space<vmem>>
    %dma_wait3A_171 = arith.constant 0 : i32
    %dma_wait3A_172 = tpu.memref_slice %arg3[%add3A_89, %dma_wait3A_171] : memref<256x65536xf32, #tpu.memory_space<hbm>> -> memref<1x65536xf32, #tpu.memory_space<hbm>>
    %dma_wait3A_173 = tpu.memref_squeeze %dma_wait3A_172 : memref<1x65536xf32, #tpu.memory_space<hbm>> -> memref<65536xf32, #tpu.memory_space<hbm>>
    %dma_wait3A_174 = arith.constant 0 : i32
    %dma_wait3A_175 = tpu.memref_slice %arg3[%add3A_89, %dma_wait3A_174] : memref<256x65536xf32, #tpu.memory_space<hbm>> -> memref<1x65536xf32, #tpu.memory_space<hbm>>
    %dma_wait3A_176 = tpu.memref_squeeze %dma_wait3A_175 : memref<1x65536xf32, #tpu.memory_space<hbm>> -> memref<65536xf32, #tpu.memory_space<hbm>>
    %dma_wait3A_177 = arith.constant 1792 : i32
    %dma_wait3A_178 = tpu.memref_slice %arg4[%dma_wait3A_177] : memref<67328xf32, #tpu.memory_space<vmem>> -> memref<65536xf32, #tpu.memory_space<vmem>>
    tpu.wait_dma2 semaphore(%arg5 : memref<!tpu.dma_semaphore, #tpu.memory_space<semaphore_mem>>) src(%dma_wait3A_178 : memref<65536xf32, #tpu.memory_space<vmem>>) dst(%dma_wait3A_176 : memref<65536xf32, #tpu.memory_space<hbm>>)
    return
  }
}

module attributes {stable_mosaic.version = 14 : i64} {
  func.func @_stage_body(%arg0: memref<2x256xf32, #tpu.memory_space<vmem>>, %arg1: memref<511x256xf32, #tpu.memory_space<vmem>>) attributes {dimension_semantics = [], scalar_prefetch = 0 : i64, scratch_operands = 0 : i64, tpu.core_type = #tpu.core_type<tc>} {
    %iota3A = tpu.iota {dimensions = array<i32: 0>} : vector<511x1xi32>
    %lt3A = arith.constant 255 : i32
    %lt3A_0 = vector.broadcast %lt3A : i32 to vector<511x1xi32>
    %lt3A_1 = arith.cmpi slt, %iota3A, %lt3A_0 : vector<511x1xi32>
    %get3A = arith.constant 0 : index
    %get3A_2 = arith.constant 0 : index
    %get3A_3 = vector.load %arg0[%get3A, %get3A_2] : memref<2x256xf32, #tpu.memory_space<vmem>>, vector<1x256xf32>
    %get3A_4 = vector.shape_cast %get3A_3 : vector<1x256xf32> to vector<256xf32>
    %broadcast_in_dim3A = vector.shape_cast %get3A_4 : vector<256xf32> to vector<1x256xf32>
    %get3A_5 = arith.constant 1 : index
    %get3A_6 = arith.constant 0 : index
    %get3A_7 = vector.load %arg0[%get3A_5, %get3A_6] : memref<2x256xf32, #tpu.memory_space<vmem>>, vector<1x256xf32>
    %get3A_8 = vector.shape_cast %get3A_7 : vector<1x256xf32> to vector<256xf32>
    %broadcast_in_dim3A_9 = vector.shape_cast %get3A_8 : vector<256xf32> to vector<1x256xf32>
    %broadcast_in_dim3A_10 = vector.shape_cast %lt3A_1 : vector<511x1xi1> to vector<511x1xi1>
    %broadcast_in_dim3A_11 = vector.broadcast %broadcast_in_dim3A_10 : vector<511x1xi1> to vector<511x256xi1>
    %broadcast_in_dim3A_12 = vector.shape_cast %broadcast_in_dim3A : vector<1x256xf32> to vector<1x256xf32>
    %broadcast_in_dim3A_13 = vector.broadcast %broadcast_in_dim3A_12 : vector<1x256xf32> to vector<511x256xf32>
    %broadcast_in_dim3A_14 = vector.shape_cast %broadcast_in_dim3A_9 : vector<1x256xf32> to vector<1x256xf32>
    %broadcast_in_dim3A_15 = vector.broadcast %broadcast_in_dim3A_14 : vector<1x256xf32> to vector<511x256xf32>
    %select_n3A = arith.select %broadcast_in_dim3A_11, %broadcast_in_dim3A_13, %broadcast_in_dim3A_15 : vector<511x256xi1>, vector<511x256xf32>
    %swap3A = arith.constant 0 : index
    %swap3A_16 = arith.constant 0 : index
    %swap3A_17 = vector.load %arg1[%swap3A, %swap3A_16] : memref<511x256xf32, #tpu.memory_space<vmem>>, vector<511x256xf32>
    tpu.vector_store %arg1[%swap3A, %swap3A_16], %select_n3A {strides = array<i32>} : memref<511x256xf32, #tpu.memory_space<vmem>>, vector<511x256xf32>,
    return
  }
}

</mosaic_0001>

<sc_bundles>
// kernel: kernel.4.cloned.1.call-start
scs
__scs_entry_jumppad:
0x0: {  	(pc) =	sbr.rel $0x88, $3  }
0x1: {  	(tag) =	ssettag $0x0;
	lr =	simm.s32 $0x1  }
0x2: {  	[smem:$0x3F9F] =	sst lr;
	_ =	strace $0xD0000000  }
0x3: {  	_ = 	snop  }
0x4: {  	_ = 	snop  }
0x5: {  	_ = 	snop  }
0x6: {  	_ = 	snop  }
0x7: {  	_ = 	snop  }
__scs_overlays_trampoline_lowered:
0x8: {  	[smem:$0x3FAE] =	sst s0  }
0x9: {  	[smem:$0x3FAF] =	sst s1  }
0xa: {  	[smem:$0x3FB0] =	sst s2  }
0xb: {  	[smem:$0x3FB1] =	sst s3  }
0xc: {  	[smem:$0x3FB2] =	sst s4  }
0xd: {  	[smem:$0x3FB3] =	sst s5  }
0xe: {  	[smem:$0x3FB4] =	sst s6  }
0xf: {  	[smem:$0x3FB5] =	sst s7  }
0x10: {  	[smem:$0x3FB6] =	sst s8  }
0x11: {  	[smem:$0x3FB7] =	sst s9;
	s0 =	simm.s32 @!p0 $0x0  }
0x12: {  	s1 =	sld [smem:$0x3F9D];
	s0 =	simm.s32 @p0 $0x1  }
0x13: {  	[smem:$0x3FB8] =	sst s0;
	s0 =	simm.s32 @!p1 $0x0  }
0x14: {  	s2 =	sld [smem:$0x3F9C];
	s0 =	simm.s32 @p1 $0x1  }
0x15: {  	[smem:$0x3FB9] =	sst s0;
	s0 =	simm.s32 @!p2 $0x0  }
0x16: {  	s3 =	sld [smem:$0x3FDB];
	s0 =	simm.s32 @p2 $0x1  }
0x17: {  	s4 =	simm.s32 $0x1BF5;
	[smem:$0x3FBB] =	sst s0  }
0x18: {  	s0 =	sld [smem:$0x3F9E];
	_ =	swait.ge [sflag:s4], $0x0  }
0x19: {  	s7 =	sld [smem:$0x3F9F]  }
0x1a: {  	s8 =	sadd.s32 $0xFFFFE003, lr  }
0x1b: {  	s9 =	sadd.s32 $0xFFFFFEF7, lr;
	s5 =	simm.s32 $0xFFFFFFFF;
	p2 =	slt.u32 s8, $0xFFFFF086  }
0x1c: {  	p1 =	slt.u32 s9, $0xF7A;
	s5 =	simm.s32 @!p2 $0x0  }
0x1d: {  	s5 =	simm.s32 @p1 $0x1;
	p0 =	seq.s32 s7, s2  }
0x1e: {  	s7 =	smul.u32 @!p0 $0xF7A, s2;
	p2 =	seq.s32 @!p0 s5, $0x0  }
0x1f: {  	s9 =	smul.u32 $0xF7A, s1;
	s8 =	simm.s32 @!p0 $0x1BF5;
	p2 =	por !p2, p0  }
0x20: {  	[sflag:s8] =	ssyncset.s32 @!p0 $0xFFFFF086;
	s6 =	sadd.s32 @!p0 s3, s7;
	s7 =	simm.s32 @!p0 $0x108  }
0x21: {  	s3 =	sadd.s32 s3, s9;
	s6 =	sadd.s32 @!p0 $0x88, s6;
	s7 =	simm.s32 @p2 $0x1082  }
0x22: {  	[simem:s7], [sflag:s8] =	dma.local @!p0 [hbm:s6], $0xF7A  }
0x23: {  	s9 =	sor.u32 $0xD0000000, s2;
	s6 =	simm.s32 $0x108;
	_ =	swait.ge @!p0 [sflag:s8], $0x0  }
0x24: {  	s3 =	sadd.s32 $0x88, s3;
	s6 =	simm.s32 @!p1 $0x1082;
	[sflag:s4] =	ssyncset.s32 $0xFFFFF086  }
0x25: {  	[simem:s6], [sflag:s4] =	dma.local [hbm:s3], $0xF7A  }
0x26: {  	[smem:$0x3F9F] =	sst s1;
	(tag) =	ssettag s2;
	_ =	strace s9  }
0x27: {  	s1 =	sld [smem:$0x3FAF]  }
0x28: {  	s2 =	sld [smem:$0x3FB0]  }
0x29: {  	s4 =	sld [smem:$0x3FB2]  }
0x2a: {  	p0 =	seq.s32 s5, $0x0;
	s5 =	sld [smem:$0x3FB3]  }
0x2b: {  	s6 =	sld [smem:$0x3FB4]  }
0x2c: {  	s7 =	sld [smem:$0x3FB5]  }
0x2d: {  	s3 =	simm.s32 $0x108;
	s8 =	sld [smem:$0x3FB6]  }
0x2e: {  	s3 =	simm.s32 @!p0 $0x1082;
	s9 =	sld [smem:$0x3FB7]  }
0x2f: {  	lr =	sadd.s32 s0, s3;
	s0 =	sld [smem:$0x3FAE]  }
0x30: {  	s3 =	sld [smem:$0x3FB1]  }
0x31: {  	[smem:$0x3FBA] =	sst s10  }
0x32: {  	s10 =	sld [smem:$0x3FB8];
	_ =	sdelay $0x3  }
0x33: {  	p0 =	seq.s32 s10, $0x1;
	s10 =	sld [smem:$0x3FBA];
	_ =	sdelay $0x3  }
0x34: {  	[smem:$0x3FBA] =	sst s10  }
0x35: {  	s10 =	sld [smem:$0x3FB9];
	_ =	sdelay $0x3  }
0x36: {  	p1 =	seq.s32 s10, $0x1;
	s10 =	sld [smem:$0x3FBA];
	_ =	sdelay $0x3  }
0x37: {  	[smem:$0x3FBA] =	sst s10  }
0x38: {  	s10 =	sld [smem:$0x3FBB]  }
0x39: {  	_ = 	snop;
	(pc) =	sbr.ind lr, $3  }
0x3a: {  	_ = 	snop  }
0x3b: {  	_ = 	snop  }
0x3c: {  	p2 =	seq.s32 s10, $0x1;
	s10 =	sld [smem:$0x3FBA]  }
0x3d: {  	_ =	shalt  }
0x3e: {  	_ =	shalt  }
0x3f: {  	_ =	shalt  }
0x40: {  	_ =	shalt  }
0x41: {  	_ =	shalt  }
0x42: {  	_ =	shalt  }
0x43: {  	_ =	shalt  }
0x44: {  	_ =	shalt  }
0x45: {  	_ =	shalt  }
0x46: {  	_ =	shalt  }
0x47: {  	_ =	shalt  }
0x48: {  	_ =	shalt  }
0x49: {  	_ =	shalt  }
0x4a: {  	_ =	shalt  }
0x4b: {  	_ =	shalt  }
0x4c: {  	_ =	shalt  }
0x4d: {  	_ =	shalt  }
0x4e: {  	_ =	shalt  }
0x4f: {  	_ =	shalt  }
0x50: {  	_ =	shalt  }
0x51: {  	_ =	shalt  }
0x52: {  	_ =	shalt  }
0x53: {  	_ =	shalt  }
0x54: {  	_ =	shalt  }
0x55: {  	_ =	shalt  }
0x56: {  	_ =	shalt  }
0x57: {  	_ =	shalt  }
0x58: {  	_ =	shalt  }
0x59: {  	_ =	shalt  }
0x5a: {  	_ =	shalt  }
0x5b: {  	_ =	shalt  }
0x5c: {  	_ =	shalt  }
0x5d: {  	_ =	shalt  }
0x5e: {  	_ =	shalt  }
0x5f: {  	_ =	shalt  }
0x60: {  	_ =	shalt  }
0x61: {  	_ =	shalt  }
0x62: {  	_ =	shalt  }
0x63: {  	_ =	shalt  }
0x64: {  	_ =	shalt  }
0x65: {  	_ =	shalt  }
0x66: {  	_ =	shalt  }
0x67: {  	_ =	shalt  }
0x68: {  	_ =	shalt  }
0x69: {  	_ =	shalt  }
0x6a: {  	_ =	shalt  }
0x6b: {  	_ =	shalt  }
0x6c: {  	_ =	shalt  }
0x6d: {  	_ =	shalt  }
0x6e: {  	_ =	shalt  }
0x6f: {  	_ =	shalt  }
0x70: {  	_ =	shalt  }
0x71: {  	_ =	shalt  }
0x72: {  	_ =	shalt  }
0x73: {  	_ =	shalt  }
0x74: {  	_ =	shalt  }
0x75: {  	_ =	shalt  }
0x76: {  	_ =	shalt  }
0x77: {  	_ =	shalt  }
0x78: {  	_ =	shalt  }
0x79: {  	_ =	shalt  }
0x7a: {  	_ =	shalt  }
0x7b: {  	_ =	shalt  }
0x7c: {  	_ =	shalt  }
0x7d: {  	_ =	shalt  }
0x7e: {  	_ =	shalt  }
0x7f: {  	_ =	shalt  }
0x80: {  	_ =	shalt  }
0x81: {  	_ =	shalt  }
0x82: {  	_ =	shalt  }
0x83: {  	_ =	shalt  }
0x84: {  	_ =	shalt  }
0x85: {  	_ =	shalt  }
0x86: {  	_ =	shalt  }
0x87: {  	_ =	shalt  }
.Lfunc_end0:
.L_simem_size_0:
called_computation.1_lowered:
.L_overlay_start_0:
0x88: {  	s2 =	sld [smem:$0x3FD9]  }
0x89: {  	s3 =	sld [smem:$0x3FFE];
	_ =	sdelay $0x1  }
0x8a: {  	s1 =	srdreg.scid  }
0x8b: {  	s0 =	sand.u32 $0x1, s1  }
0x8c: {  	s17 =	sshll.u32 s0, $0xA;
	s2 =	sadd.s32 s3, s2  }
0x8d: {  	s2 =	sadd.s32 s2, s17  }
0x8e: {  	[smem:$0x3FC6] =	sst s2  }
0x8f: {  	_ = 	snop  }
0x90: {  	s2 =	sld [smem:$0x3FD0];
	(tm) =	ssettm $0x1  }
0x91: {  	s18 =	sld [smem:$0x3FFB];
	_ =	sdelay $0x3  }
0x92: {  	_ =	strace s18  }
0x93: {  	s3 =	sld [smem:$0x3FFC];
	_ =	sdelay $0x3  }
0x94: {  	_ =	strace s3  }
0x95: {  	s3 =	sld [smem:$0x3FFD];
	_ =	sdelay $0x3  }
0x96: {  	_ =	strace s3  }
0x97: {  	_ =	strace $0x8FFFFFFF  }
0x98: {  	s19 =	sld [smem:$0x3FDB];
	_ =	sdelay $0x1  }
0x99: {  	s4 =	simm.s32 $_scs_section_size  }
0x9a: {  	s5 =	simm.s32 $_size__tile_overlayer_lowered;
	s6 =	simm.s32 $_tile_overlayer_lowered  }
0x9b: {  	s22 =	simm.s32 $0x1BFF;
	s21 =	sshll.u32 s6, $0x1;
	s3 =	sadd.s32 s4, s19  }
0x9c: {  	s7 =	simm.s32 $0x0;
	s20 =	sshll.u32 s5, $0x1;
	s5 =	sadd.s32 s21, s3  }
0x9d: {  	[timem:s7], [sflag:s22] =	dma.local [hbm:s5], s20  }
0x9e: {  	_ =	swait.ge [sflag:s22], s20  }
0x9f: {  	s4 =	ssub.s32 $0x0, s20;
	[sflag:s22] =	ssyncset.done $0x0  }
0xa0: {  	[sflag:s22] =	ssyncadd.s32 s4;
	_ =	sdelay $0x1  }
0xa1: {  	s23 =	simm.s32 $0x1B8B  }
0xa2: {  	_ =	swait.ge [sflag:s23], $0x1  }
0xa3: {  	[sflag:s23] =	ssyncset.done $0x0  }
0xa4: {  	s25 =	simm.s32 $0x1B8E;
	s24 =	sld [smem:$0x3FFE];
	[sflag:s23] =	ssyncadd.s32 $0xFFFFFFFF  }
0xa5: {  	s26 =	simm.s32 $execute0_lowered;
	[smem:$0x3FD2] =	sst s25  }
0xa6: {  	s5 =	sshll.u32 s26, $0x1;
	_ =	strace $0x80000046;
	[dreg:$0x1] =	wrdreg $0xFFFFFFFF  }
0xa7: {  	s28 =	simm.s32 $_size_execute0_lowered;
	s3 =	sadd.s32 s3, s5;
	[dreg:$0x0] =	wrdreg $0x0  }
0xa8: {  	s5 =	sshll.u32 s28, $0x1;
	[dreg:$0x2] =	wrdreg s3  }
0xa9: {  	[dreg:$0x3] =	wrdreg s5  }
0xaa: {  	[dreg:$0x4] =	wrdreg $0xC0  }
0xab: {  	_ =	task [dreg:s7], $0x5FFFF  }
0xac: {  	[dreg:$0x1] =	wrdreg $0xFFFFFFFF  }
0xad: {  	[dreg:$0x0] =	wrdreg $0x60  }
0xae: {  	[dreg:$0x2] =	wrdreg s2  }
0xaf: {  	[dreg:$0x3] =	wrdreg s24  }
0xb0: {  	[dreg:$0x4] =	wrdreg $0x9  }
0xb1: {  	_ =	task.clear_ibuf [dreg:s7], $0x5FFFF;
	_ =	strace $0x90000046  }
0xb2: {  	s29 =	simm.s32 $0x9;
	_ =	strace $0x80000048  }
0xb3: {  	_ =	swait.ge [sflag:s29], $0x1  }
0xb4: {  	[sflag:s29] =	ssyncadd.s32 $0xFFFFFFFF  }
0xb5: {  	_ =	strace $0x90000048  }
0xb6: {  	_ =	sfence  }
0xb7: {  	s30 =	sld [smem:$0x0];
	_ =	sdelay $0x2  }
0xb8: {  	s31 =	sshll.u32 s1, $0xD;
	s1 =	sshrl.u32 s1, $0x2  }
0xb9: {  	s3 =	sand.u32 $0x4000, s31;
	s1 =	sadd.s32 s1, s30  }
0xba: {  	s0 =	sor.u32 s3, s0;
	s1 =	sshll.u32 s1, $0x11  }
0xbb: {  	s0 =	sor.u32 s1, s0  }
0xbc: {  	s0 =	sadd.s32 $0x8F2B, s0  }
0xbd: {  	[sflag:s0] =	ssyncadd.remote.s32 $0x1  }
0xbe: {  	_ =	sfence.sel $0xFFFF  }
0xbf: {  	[dreg:$0x0] =	wrdreg $0xFFFFFFFF;
	(pc) =	sbr.abs _section_cstart, $3  }
0xc0: {  	[dreg:$0x1] =	wrdreg $0xFFFFFFFF  }
0xc1: {  	_ =	task.clear_ibuf [dreg:s7], $0x2FFFF;
	_ =	strace $0x9FFFFFFF  }
0xc2: {  	(tm) =	ssettm $0x7FFFFFFF  }
0xc3: {  	_ =	shalt  }
tec
execute0_lowered:
.L_overlay_start_1:
0x0: {  	(tag) =	ssettag $0x1  }
0x1: {  	s3 =	rddreg [dreg:$0x0]  }
0x2: {  	s5 =	rddreg [dreg:$0x1]  }
0x3: {  	s4 =	srdreg.scid;
	s1 =	stileid.u32  }
0x4: {  	s2 =	simm.s32 $0x0;
	s22 =	sand.u32 $0x1, s4;
	s31 =	sshll.u32 s1, $0x1  }
0x5: {  	[smem:$0x7FF] =	sst s2;
	s4 =	sor.u32 s22, s31  }
0x6: {  	s0 =	rddreg [dreg:$0x2];
	_ =	strace $0x80000047;
	s6 =	sshll.u32 s4, $0x8  }
0x7: {  	s7 =	sshll.u32 s4, $0x10;
	s4 =	simm.s32 $0x2;
	s3 =	sadd.s32 s3, s6  }
0x8: {  	[tilespmem:s2], [sflag:$0x2] =	stream.linear.gather [hbm4b:s3+s2], $0x10700, $0x38;
	[tilespmem:$0x10700] =	vst v63  }
0x9: {  	_ =	swait.ge [sflag:s4], $0x10700  }
0xa: {  	s19 =	sadd.s32 s7, s5;
	s6 =	simm.s32 $0x80;
	[sflag:s4] =	ssyncset.done $0x0  }
0xb: {  	s7 =	simm.s32 $0x400;
	s5 =	sadd.s32 $0x800, s19;
	[sflag:s4] =	ssyncadd.s32 $0xFFFEF900  }
0xc: {  	[hbm4b:s5+s6] =	stream.strided.scatter [tilespmem:s2], [sflag:$0x1], $0x10000, s7, s6, $0x38;
	[tilespmem:$0x10700] =	vst v63  }
0xd: {  	s9 =	simm.s32 $0x100;
	s8 =	sadd.s32 $0x810, s19  }
0xe: {  	[hbm4b:s8+s6] =	stream.strided.scatter [tilespmem:s9], [sflag:$0x1], $0x10000, s7, s6, $0x38;
	[tilespmem:$0x10700] =	vst v63  }
0xf: {  	s11 =	simm.s32 $0x200;
	s10 =	sadd.s32 $0x820, s19  }
0x10: {  	[hbm4b:s10+s6] =	stream.strided.scatter [tilespmem:s11], [sflag:$0x1], $0x10000, s7, s6, $0x38;
	[tilespmem:$0x10700] =	vst v63  }
0x11: {  	s13 =	simm.s32 $0x300;
	s12 =	sadd.s32 $0x830, s19  }
0x12: {  	[hbm4b:s12+s6] =	stream.strided.scatter [tilespmem:s13], [sflag:$0x1], $0x10000, s7, s6, $0x38;
	[tilespmem:$0x10700] =	vst v63  }
0x13: {  	s14 =	sadd.s32 $0x840, s19  }
0x14: {  	[hbm4b:s14+s6] =	stream.strided.scatter [tilespmem:s7], [sflag:$0x1], $0x10000, s7, s6, $0x38;
	[tilespmem:$0x10700] =	vst v63  }
0x15: {  	s16 =	simm.s32 $0x500;
	s15 =	sadd.s32 $0x850, s19  }
0x16: {  	[hbm4b:s15+s6] =	stream.strided.scatter [tilespmem:s16], [sflag:$0x1], $0x10000, s7, s6, $0x38;
	[tilespmem:$0x10700] =	vst v63  }
0x17: {  	s18 =	simm.s32 $0x600;
	s17 =	sadd.s32 $0x860, s19  }
0x18: {  	[hbm4b:s17+s6] =	stream.strided.scatter [tilespmem:s18], [sflag:$0x1], $0x10000, s7, s6, $0x38;
	[tilespmem:$0x10700] =	vst v63  }
0x19: {  	s21 =	simm.s32 $0x700;
	s20 =	simm.s32 $0x1;
	s19 =	sadd.s32 $0x870, s19  }
0x1a: {  	[hbm4b:s19+s6] =	stream.strided.scatter [tilespmem:s21], [sflag:$0x1], $0x10000, s7, s6, $0x38;
	[tilespmem:$0x10700] =	vst v63  }
0x1b: {  	_ =	swait.ge [sflag:s20], $0x10000  }
0x1c: {  	[sflag:s20] =	ssyncset.done $0x0  }
0x1d: {  	[sflag:s20] =	ssyncadd.s32 $0xFFFF0000  }
0x1e: {  	_ =	swait.ge [sflag:s20], $0x10000  }
0x1f: {  	[sflag:s20] =	ssyncset.done $0x0  }
0x20: {  	[sflag:s20] =	ssyncadd.s32 $0xFFFF0000  }
0x21: {  	_ =	swait.ge [sflag:s20], $0x10000  }
0x22: {  	[sflag:s20] =	ssyncset.done $0x0  }
0x23: {  	[sflag:s20] =	ssyncadd.s32 $0xFFFF0000  }
0x24: {  	_ =	swait.ge [sflag:s20], $0x10000  }
0x25: {  	[sflag:s20] =	ssyncset.done $0x0  }
0x26: {  	[sflag:s20] =	ssyncadd.s32 $0xFFFF0000  }
0x27: {  	_ =	swait.ge [sflag:s20], $0x10000  }
0x28: {  	s22 =	ssub.s32 $0x2, s22;
	[sflag:s20] =	ssyncset.done $0x0  }
0x29: {  	s23 =	sshrl.u32 s22, $0x1;
	[sflag:s20] =	ssyncadd.s32 $0xFFFF0000  }
0x2a: {  	s22 =	ssub.s32 s22, s23;
	_ =	swait.ge [sflag:s20], $0x10000  }
0x2b: {  	s22 =	smax.u32 s22, $0x1;
	[sflag:s20] =	ssyncset.done $0x0  }
0x2c: {  	p0 =	sne.s32 s22, $0x1;
	[sflag:s20] =	ssyncadd.s32 $0xFFFF0000  }
.Ltmp0:
0x2d: {  	_ =	swait.ge [sflag:s20], $0x10000;
	(pc) =	sbr.rel @!p0 .LBB2_2-.Ltmp0, $4  }
0x2e: {  	[sflag:s20] =	ssyncset.done $0x0  }
0x2f: {  	[sflag:s20] =	ssyncadd.s32 $0xFFFF0000  }
0x30: {  	_ =	swait.ge [sflag:s20], $0x10000  }
0x31: {  	s22 =	sadd.s32 $0xFFFFFFFF, s22;
	[sflag:s20] =	ssyncset.done $0x0  }
.LBB2_1:
0x32: {  	p0 =	sne.s32 s22, $0x1;
	s22 =	sadd.s32 $0xFFFFFFFF, s22;
	[sflag:s20] =	ssyncadd.s32 $0xFFFF0000  }
0x33: {  	[tilespmem:s2], [sflag:$0x2] =	stream.linear.gather [hbm4b:s3+s2], $0x10700, $0x38;
	[tilespmem:$0x10700] =	vst v63  }
0x34: {  	_ =	swait.ge [sflag:s4], $0x10700  }
0x35: {  	[sflag:s4] =	ssyncset.done $0x0  }
0x36: {  	[sflag:s4] =	ssyncadd.s32 $0xFFFEF900  }
0x37: {  	[hbm4b:s5+s6] =	stream.strided.scatter [tilespmem:s2], [sflag:$0x1], $0x10000, s7, s6, $0x38;
	[tilespmem:$0x10700] =	vst v63  }
0x38: {  	_ = 	snop  }
0x39: {  	[hbm4b:s8+s6] =	stream.strided.scatter [tilespmem:s9], [sflag:$0x1], $0x10000, s7, s6, $0x38;
	[tilespmem:$0x10700] =	vst v63  }
0x3a: {  	_ = 	snop  }
0x3b: {  	[hbm4b:s10+s6] =	stream.strided.scatter [tilespmem:s11], [sflag:$0x1], $0x10000, s7, s6, $0x38;
	[tilespmem:$0x10700] =	vst v63  }
0x3c: {  	_ = 	snop  }
0x3d: {  	[hbm4b:s12+s6] =	stream.strided.scatter [tilespmem:s13], [sflag:$0x1], $0x10000, s7, s6, $0x38;
	[tilespmem:$0x10700] =	vst v63  }
0x3e: {  	_ = 	snop  }
0x3f: {  	[hbm4b:s14+s6] =	stream.strided.scatter [tilespmem:s7], [sflag:$0x1], $0x10000, s7, s6, $0x38;
	[tilespmem:$0x10700] =	vst v63  }
0x40: {  	_ = 	snop  }
0x41: {  	[hbm4b:s15+s6] =	stream.strided.scatter [tilespmem:s16], [sflag:$0x1], $0x10000, s7, s6, $0x38;
	[tilespmem:$0x10700] =	vst v63  }
0x42: {  	_ = 	snop  }
0x43: {  	[hbm4b:s17+s6] =	stream.strided.scatter [tilespmem:s18], [sflag:$0x1], $0x10000, s7, s6, $0x38;
	[tilespmem:$0x10700] =	vst v63  }
0x44: {  	_ = 	snop  }
0x45: {  	[hbm4b:s19+s6] =	stream.strided.scatter [tilespmem:s21], [sflag:$0x1], $0x10000, s7, s6, $0x38;
	[tilespmem:$0x10700] =	vst v63  }
0x46: {  	_ =	swait.ge [sflag:s20], $0x10000  }
0x47: {  	[sflag:s20] =	ssyncset.done $0x0  }
0x48: {  	[sflag:s20] =	ssyncadd.s32 $0xFFFF0000  }
0x49: {  	_ =	swait.ge [sflag:s20], $0x10000  }
0x4a: {  	[sflag:s20] =	ssyncset.done $0x0  }
0x4b: {  	[sflag:s20] =	ssyncadd.s32 $0xFFFF0000  }
0x4c: {  	_ =	swait.ge [sflag:s20], $0x10000  }
0x4d: {  	[sflag:s20] =	ssyncset.done $0x0  }
0x4e: {  	[sflag:s20] =	ssyncadd.s32 $0xFFFF0000  }
0x4f: {  	_ =	swait.ge [sflag:s20], $0x10000  }
0x50: {  	[sflag:s20] =	ssyncset.done $0x0  }
0x51: {  	[sflag:s20] =	ssyncadd.s32 $0xFFFF0000  }
0x52: {  	_ =	swait.ge [sflag:s20], $0x10000  }
0x53: {  	[sflag:s20] =	ssyncset.done $0x0  }
0x54: {  	[sflag:s20] =	ssyncadd.s32 $0xFFFF0000  }
0x55: {  	_ =	swait.ge [sflag:s20], $0x10000  }
0x56: {  	[sflag:s20] =	ssyncset.done $0x0  }
0x57: {  	[sflag:s20] =	ssyncadd.s32 $0xFFFF0000  }
.Ltmp1:
0x58: {  	_ =	swait.ge [sflag:s20], $0x10000;
	(pc) =	sbr.rel @p0 .LBB2_1-.Ltmp1, $4  }
0x59: {  	[sflag:s20] =	ssyncset.done $0x0  }
0x5a: {  	[sflag:s20] =	ssyncadd.s32 $0xFFFF0000  }
0x5b: {  	_ =	swait.ge [sflag:s20], $0x10000  }
0x5c: {  	[sflag:s20] =	ssyncset.done $0x0  }
.LBB2_2:
0x5d: {  	[sflag:s20] =	ssyncadd.s32 $0xFFFF0000  }
0x5e: {  	_ =	sfence.sel $0x180000  }
0x5f: {  	[bflag:$0x0] =	sbarrier.arrive $0xFFFF  }
0x60: {  	p0 =	sne.s32 s1, $0x0;
	_ =	strace $0x90000047  }
0x61: {  	s0 =	sadd.s32 @!p0 $0x100000, s0;
	[bflag:$0x2] =	sbarrier.arrive $0xFFFF  }
0x62: {  	[sflag:s0] =	ssyncadd.tile.s32 @!p0 $0x1;
	_ =	shalt  }
.Lfunc_end2:
_tile_overlayer_lowered:
.L_overlay_start_2:
0x63: {  	(tag) =	ssettag $0x2  }
0x64: {  	s0 =	rddreg [dreg:$0x0];
	s2 =	stileid.u32  }
0x65: {  	s1 =	rddreg [dreg:$0x1];
	p0 =	sne.s32 s2, $0x0  }
0x66: {  	s3 =	rddreg [dreg:$0x2];
	[bflag:$0x3] =	sbarrier.arrive $0xFFFF;
	s2 =	simm.s32 @!p0 $0x1C02  }
0x67: {  	[timem:s3], [sflag:s2] =	dma.local @!p0 [hbm:s0], s1  }
0x68: {  	s0 =	simm.s32 @!p0 $0x2  }
0x69: {  	_ =	swait.ge @!p0 [sflag:s0], s1  }
0x6a: {  	s1 =	ssub.s32 @!p0 $0x0, s1;
	[sflag:s0] =	ssyncset.done @!p0 $0x0  }
0x6b: {  	[sflag:s0] =	ssyncadd.s32 @!p0 s1  }
0x6c: {  	[bflag:$0x3] =	sbarrier.arrive $0xFFFF  }
0x6d: {  	_ =	shalt  }

// kernel: sparse-core-data-format-call.cloned.1.call-start
scs
called_computation_lowered:
.L_overlay_start_0:
0x0: {  	s2 =	sld [smem:$0x3FD9]  }
0x1: {  	s3 =	sld [smem:$0x3FFE];
	_ =	sdelay $0x1  }
0x2: {  	s1 =	srdreg.scid  }
0x3: {  	s0 =	sand.u32 $0x1, s1  }
0x4: {  	s18 =	sshll.u32 s0, $0xA;
	s2 =	sadd.s32 s3, s2  }
0x5: {  	s2 =	sadd.s32 s2, s18  }
0x6: {  	[smem:$0x3FC6] =	sst s2  }
0x7: {  	_ = 	snop  }
0x8: {  	s2 =	sld [smem:$0x3FD0];
	(tm) =	ssettm $0x1  }
0x9: {  	s19 =	sld [smem:$0x3FFB];
	_ =	sdelay $0x3  }
0xa: {  	_ =	strace s19  }
0xb: {  	s3 =	sld [smem:$0x3FFC];
	_ =	sdelay $0x3  }
0xc: {  	_ =	strace s3  }
0xd: {  	s3 =	sld [smem:$0x3FFD];
	_ =	sdelay $0x3  }
0xe: {  	_ =	strace s3  }
0xf: {  	_ =	strace $0x8FFFFFFF  }
0x10: {  	s20 =	sld [smem:$0x3FDB];
	_ =	sdelay $0x1  }
0x11: {  	s4 =	simm.s32 $_scs_section_size  }
0x12: {  	s5 =	simm.s32 $_size__tile_overlayer_lowered;
	s6 =	simm.s32 $_tile_overlayer_lowered  }
0x13: {  	s23 =	simm.s32 $0x1BFF;
	s22 =	sshll.u32 s6, $0x1;
	s3 =	sadd.s32 s4, s20  }
0x14: {  	s7 =	simm.s32 $0x0;
	s21 =	sshll.u32 s5, $0x1;
	s5 =	sadd.s32 s22, s3  }
0x15: {  	[timem:s7], [sflag:s23] =	dma.local [hbm:s5], s21  }
0x16: {  	_ =	swait.ge [sflag:s23], s21  }
0x17: {  	s4 =	ssub.s32 $0x0, s21;
	[sflag:s23] =	ssyncset.done $0x0  }
0x18: {  	[sflag:s23] =	ssyncadd.s32 s4;
	_ =	sdelay $0x1  }
0x19: {  	s24 =	simm.s32 $0x1B8B  }
0x1a: {  	_ =	swait.ge [sflag:s24], $0x1  }
0x1b: {  	[sflag:s24] =	ssyncset.done $0x0  }
0x1c: {  	s26 =	simm.s32 $0x1B8E;
	s25 =	sld [smem:$0x3FFE];
	[sflag:s24] =	ssyncadd.s32 $0xFFFFFFFF  }
0x1d: {  	s27 =	simm.s32 $execute0_lowered;
	[smem:$0x3FD2] =	sst s26  }
0x1e: {  	s5 =	sshll.u32 s27, $0x1;
	_ =	strace $0x80000049;
	[dreg:$0x1] =	wrdreg $0xFFFFFFFF  }
0x1f: {  	s28 =	simm.s32 $_size_execute0_lowered;
	s3 =	sadd.s32 s3, s5;
	[dreg:$0x0] =	wrdreg $0x0  }
0x20: {  	s5 =	sshll.u32 s28, $0x1;
	[dreg:$0x2] =	wrdreg s3  }
0x21: {  	[dreg:$0x3] =	wrdreg s5  }
0x22: {  	[dreg:$0x4] =	wrdreg $0xC0  }
0x23: {  	_ =	task [dreg:s7], $0x5FFFF  }
0x24: {  	[dreg:$0x1] =	wrdreg $0xFFFFFFFF  }
0x25: {  	[dreg:$0x0] =	wrdreg $0x60  }
0x26: {  	[dreg:$0x2] =	wrdreg s25  }
0x27: {  	[dreg:$0x3] =	wrdreg s2  }
0x28: {  	[dreg:$0x4] =	wrdreg $0x9  }
0x29: {  	_ =	task.clear_ibuf [dreg:s7], $0x5FFFF;
	_ =	strace $0x90000049  }
0x2a: {  	s29 =	simm.s32 $0x9;
	_ =	strace $0x8000004B  }
0x2b: {  	_ =	swait.ge [sflag:s29], $0x1  }
0x2c: {  	[sflag:s29] =	ssyncadd.s32 $0xFFFFFFFF  }
0x2d: {  	_ =	strace $0x9000004B  }
0x2e: {  	_ =	sfence  }
0x2f: {  	s30 =	sld [smem:$0x0];
	_ =	sdelay $0x2  }
0x30: {  	s31 =	sshll.u32 s1, $0xD;
	s1 =	sshrl.u32 s1, $0x2  }
0x31: {  	s3 =	sand.u32 $0x4000, s31;
	s1 =	sadd.s32 s1, s30  }
0x32: {  	s0 =	sor.u32 s3, s0;
	s1 =	sshll.u32 s1, $0x11  }
0x33: {  	s0 =	sor.u32 s1, s0  }
0x34: {  	s0 =	sadd.s32 $0x8F2B, s0  }
0x35: {  	[sflag:s0] =	ssyncadd.remote.s32 $0x1  }
0x36: {  	_ =	sfence.sel $0xFFFF  }
0x37: {  	[dreg:$0x0] =	wrdreg $0xFFFFFFFF;
	(pc) =	sbr.abs _section_cstart, $3  }
0x38: {  	[dreg:$0x1] =	wrdreg $0xFFFFFFFF  }
0x39: {  	_ =	task.clear_ibuf [dreg:s7], $0x2FFFF;
	_ =	strace $0x9FFFFFFF  }
0x3a: {  	(tm) =	ssettm $0x7FFFFFFF  }
0x3b: {  	_ =	shalt  }
tec
execute0_lowered:
.L_overlay_start_1:
0x0: {  	(tag) =	ssettag $0x1  }
0x1: {  	s1 =	rddreg [dreg:$0x0]  }
0x2: {  	s2 =	rddreg [dreg:$0x1]  }
0x3: {  	s0 =	rddreg [dreg:$0x2]  }
0x4: {  	_ =	strace $0x8000004A;
	s4 =	srdreg.scid;
	s6 =	simm.s32 $0x2  }
0x5: {  	s11 =	simm.s32 $0x0;
	p0 =	por $0x0, $0x0;
	s7 =	simm.s32 $0x10000  }
.Ltmp0:
0x6: {  	s12 =	simm.s32 $0x0;
	s9 =	simm.s32 $0x0;
	(pc) =	sbr.rel .LBB1_1-.Ltmp0, $4  }
0x7: {  	s8 =	simm.s32 $0x0;
	s3 =	sadd.s32 $0x800, s1;
	s5 =	sshll.u32 s4, $0x4  }
0x8: {  	s1 =	stileid.u32;
	s4 =	simm.s32 $0x1;
	s5 =	sand.u32 $0x10, s5  }
0x9: {  	s18 =	simm.s32 $0x0;
	[sflag:s4] =	ssyncpa.u1 $0x0;
	s5 =	sor.u32 s1, s5  }
0xa: {  	[sflag:s6] =	ssyncpa.u1 $0x0;
	s6 =	simm.s32 $0x800;
	s10 =	smov.u32 s5  }
.LBB1_7:
0xb: {  	s13 =	sadd.s32 $0x8, s9  }
0xc: {  	s11 =	sadd.s32 $0x20, s10;
	s15 =	smov.u32 s10;
	p2 =	sgt.s32 s13, $0xFF  }
0xd: {  	p1 =	slt.u32 s8, $0x2;
	s15 =	smov.u32 @p2 s11  }
0xe: {  	s8 =	sadd.s32 $0x1, s8;
	s13 =	simm.s32 @p2 $0x0;
	p2 =	sgt.s32 s15, $0x1F  }
0xf: {  	s15 =	smov.u32 @p2 s5;
	p2 =	sne.s32 s8, $0x22  }
.Ltmp1:
0x10: {  	_ = 	snop;
	(pc) =	sbr.rel @!p2 .LBB1_8-.Ltmp1, $4  }
0x11: {  	s14 =	simm.s32 @!p1 $0x2  }
0x12: {  	s12 =	smov.u32 s10;
	_ =	swait.ge @!p1 [sflag:s14], $0x4000  }
0x13: {  	p0 =	por !p0, !p0;
	s11 =	smov.u32 s9;
	[sflag:s14] =	ssyncset.done @!p1 $0x0  }
0x14: {  	s9 =	smov.u32 s13;
	[sflag:s14] =	ssyncadd.s32 @!p1 $0xFFFFC000;
	s10 =	smov.u32 s15  }
.LBB1_1:
0x15: {  	p1 =	sgt.u32 s8, $0x1F  }
0x16: {  	s13 =	sxor.u32 @!p1 $0xFFFFFFFF, s8;
	s14 =	sshll.u32 @!p1 s10, $0x10  }
0x17: {  	s15 =	sshll.u32 @!p1 s9, $0x8;
	s13 =	sshll.u32 @!p1 s13, $0xE;
	s14 =	sadd.s32 @!p1 s3, s14  }
0x18: {  	s13 =	sand.u32 @!p1 $0x4000, s13;
	s14 =	sadd.s32 @!p1 s15, s14;
	s15 =	simm.s32 @!p1 $0x0  }
0x19: {  	[tilespmem:s13], [sflag:$0x1] =	stream.linear.gather @!p1 [hbm4b:s14+s15], $0x4000, $0x38;
	[tilespmem:$0x10000] =	vst v63  }
0x1a: {  	p1 =	seq.s32 s8, $0x0  }
0x1b: {  	p2 =	seq.s32 @!p1 s8, $0x21  }
0x1c: {  	p1 =	por p1, p2  }
.Ltmp2:
0x1d: {  	_ = 	snop;
	(pc) =	sbr.rel @p1 .LBB1_7-.Ltmp2, $1  }
0x1e: {  	_ =	sdelay $0x3  }
0x1f: {  	s13 =	simm.s32 $0x1  }
0x20: {  	_ =	swait.ge [sflag:s4], $0x4000;
	s31 =	sshll.u32 s8, $0xE;
	p1 =	por $0x0, $0x0  }
0x21: {  	s19 =	simm.s32 $0x0;
	s20 =	simm.s32 $0x0;
	s13 =	simm.s32 @!p0 $0x0  }
0x22: {  	[sflag:s4] =	ssyncset.done $0x0;
	s16 =	sand.u32 $0x4000, s31;
	s13 =	sshll.u32 s13, $0x10  }
0x23: {  	[sflag:s4] =	ssyncadd.s32 $0xFFFFC000;
	s17 =	sshrl.u32 s13, $0x2;
	s13 =	sor.u32 $0x8000, s16  }
0x24: {  	s14 =	sor.u32 $0x40, s17;
	s15 =	sor.u32 $0x8410, s17;
	s17 =	sadd.s32 $0x8400, s17  }
.LBB1_3:
0x25: {  	v1 =	vld [tilespmem:s14+$0xFFFFFFD0]  }
0x26: {  	v2 =	vld [tilespmem:s14+$0x430]  }
0x27: {  	s21 =	sshll.u32 s20, $0xB;
	v4 =	vld [tilespmem:s14+$0xFFFFFFE0]  }
0x28: {  	v7 =	vld [tilespmem:s14+$0xFFFFFFF0];
	v0 =	vmov s21  }
0x29: {  	v8 =	vld [tilespmem:s14+$0x0]  }
0x2a: {  	s30 =	sand.u32 $0x300, s18;
	v9 =	vld [tilespmem:s14+$0x10]  }
0x2b: {  	s22 =	sand.u32 $0x80, s18;
	v10 =	vld [tilespmem:s14+$0x20];
	s21 =	sadd.s32 s30, s16  }
0x2c: {  	v11 =	vld [tilespmem:s14+$0x30];
	s21 =	sadd.s32 s22, s21;
	s22 =	simm.s32 $0x1;
	[tilespmem:s15+$0x60] =	vst v2  }
0x2d: {  	s31 =	sshll.u32 s19, $0x2;
	s22 =	simm.s32 @!p1 $0x0;
	[tilespmem:s15+$0xFFFFFC00] =	vst v1;
	v3 =	vld.idx.msk [tilespmem:v0+s21+$0x400 ss:$0x1], $0xffff  }
0x2e: {  	v6 =	vld [tilespmem:s14+$0x3D0];
	s22 =	sshll.u32 s22, $0x9;
	[tilespmem:s15+$0xFFFFFC10] =	vst v4;
	s21 =	sand.u32 $0xFFFFFC00, s31  }
0x2f: {  	v5 =	vld [tilespmem:s14+$0x3E0];
	[tilespmem:s15+$0xFFFFFC20] =	vst v7;
	s21 =	sor.u32 s22, s21  }
0x30: {  	[tilespmem:s15+$0xFFFFFC30] =	vst v8;
	v4 =	vld [tilespmem:s14+$0x400];
	s21 =	sshrl.u32 s21, $0x2  }
0x31: {  	[tilespmem:s15+$0xFFFFFC40] =	vst v9;
	v1 =	vld [tilespmem:s14+$0x410];
	s21 =	sadd.s32 s21, s17  }
0x32: {  	[tilespmem:s21+$0x0] =	vst v3;
	v3 =	vld [tilespmem:s14+$0x3F0]  }
0x33: {  	s25 =	simm.s32 $0x80;
	s24 =	simm.s32 $0x100;
	[tilespmem:s15+$0xFFFFFC50] =	vst v10;
	v2 =	vld [tilespmem:s14+$0x420]  }
0x34: {  	s23 =	smov.u32 s15;
	s26 =	sand.u32 $0x300, s25;
	v7 =	vld [tilespmem:s14+$0xFFFFFFC0];
	[tilespmem:s15+$0xFFFFFC60] =	vst v11;
	s22 =	sadd.s32 $0x80, s14  }
.LBB1_4:
0x35: {  	p2 =	sne.s32 s24, $0x380;
	v8 =	vld [tilespmem:s22+$0xFFFFFFD0];
	s25 =	sand.u32 $0x80, s25;
	s26 =	sadd.s32 s26, s16;
	[tilespmem:s23+$0x0] =	vst v6  }
0x36: {  	s26 =	sadd.s32 s25, s26;
	v6 =	vld [tilespmem:s22+$0x430];
	[tilespmem:s23+$0x10] =	vst v5;
	s25 =	smov.u32 s24  }
0x37: {  	v5 =	vld.idx.msk [tilespmem:v0+s26+$0x400 ss:$0x1], $0xffff;
	[tilespmem:s23+$0x20] =	vst v3  }
0x38: {  	v3 =	vld [tilespmem:s22+$0xFFFFFFE0];
	[tilespmem:s23+$0x30] =	vst v4  }
0x39: {  	v4 =	vld [tilespmem:s22+$0xFFFFFFF0];
	[tilespmem:s23+$0xFFFFFBF0] =	vst v7  }
0x3a: {  	v7 =	vld [tilespmem:s22+$0x0];
	[tilespmem:s23+$0x40] =	vst v1  }
0x3b: {  	v1 =	vld [tilespmem:s22+$0x10];
	[tilespmem:s23+$0x50] =	vst v2;
	s23 =	sadd.s32 $0x800, s23  }
0x3c: {  	s21 =	sadd.s32 $0x800, s21;
	v2 =	vld [tilespmem:s22+$0x20];
	[tilespmem:s23+$0x60] =	vst v6  }
0x3d: {  	v9 =	vld [tilespmem:s22+$0x30];
	[tilespmem:s21+$0x0] =	vst v5  }
0x3e: {  	[tilespmem:s23+$0xFFFFFC00] =	vst v8;
	v6 =	vld [tilespmem:s22+$0x3D0]  }
0x3f: {  	[tilespmem:s23+$0xFFFFFC10] =	vst v3;
	v5 =	vld [tilespmem:s22+$0x3E0]  }
.Ltmp3:
0x40: {  	[tilespmem:s23+$0xFFFFFC20] =	vst v4;
	v3 =	vld [tilespmem:s22+$0x3F0];
	(pc) =	sbr.rel @p2 .LBB1_4-.Ltmp3, $4  }
0x41: {  	[tilespmem:s23+$0xFFFFFC30] =	vst v7;
	v4 =	vld [tilespmem:s22+$0x400]  }
0x42: {  	[tilespmem:s23+$0xFFFFFC40] =	vst v1;
	v1 =	vld [tilespmem:s22+$0x410]  }
0x43: {  	[tilespmem:s23+$0xFFFFFC50] =	vst v2;
	v2 =	vld [tilespmem:s22+$0x420]  }
0x44: {  	s24 =	sadd.s32 $0x80, s24;
	s26 =	sand.u32 $0x300, s25;
	v7 =	vld [tilespmem:s22+$0xFFFFFFC0];
	[tilespmem:s23+$0xFFFFFC60] =	vst v9;
	s22 =	sadd.s32 $0x80, s22  }
0x45: {  	[tilespmem:s23+$0x0] =	vst v6  }
0x46: {  	[tilespmem:s23+$0x10] =	vst v5  }
0x47: {  	v49 =	vld [tilespmem:s22+$0x430];
	[tilespmem:s23+$0x20] =	vst v3  }
0x48: {  	v50 =	vld [tilespmem:s22+$0xFFFFFFD0];
	[tilespmem:s23+$0x30] =	vst v4  }
0x49: {  	v51 =	vld [tilespmem:s22+$0xFFFFFFE0];
	[tilespmem:s23+$0x40] =	vst v1  }
0x4a: {  	v52 =	vld [tilespmem:s22+$0xFFFFFFF0];
	[tilespmem:s23+$0x50] =	vst v2  }
0x4b: {  	s31 =	sadd.s32 $0x800, s23;
	v53 =	vld [tilespmem:s22+$0x0];
	[tilespmem:s23+$0xFFFFFBF0] =	vst v7  }
0x4c: {  	v54 =	vld [tilespmem:s22+$0x10];
	[tilespmem:s31+$0x60] =	vst v49  }
0x4d: {  	v55 =	vld [tilespmem:s22+$0x20];
	[tilespmem:s31+$0xFFFFFC00] =	vst v50  }
0x4e: {  	v56 =	vld [tilespmem:s22+$0x30];
	[tilespmem:s31+$0xFFFFFC10] =	vst v51  }
0x4f: {  	v57 =	vld [tilespmem:s22+$0x3D0];
	[tilespmem:s31+$0xFFFFFC20] =	vst v52  }
0x50: {  	v58 =	vld [tilespmem:s22+$0x3E0];
	[tilespmem:s31+$0xFFFFFC30] =	vst v53  }
0x51: {  	v59 =	vld [tilespmem:s22+$0x3F0];
	[tilespmem:s31+$0xFFFFFC40] =	vst v54  }
0x52: {  	v60 =	vld [tilespmem:s22+$0x400];
	[tilespmem:s31+$0xFFFFFC50] =	vst v55  }
0x53: {  	v61 =	vld [tilespmem:s22+$0xFFFFFFC0];
	[tilespmem:s31+$0xFFFFFC60] =	vst v56  }
0x54: {  	s24 =	sand.u32 $0x80, s25;
	s30 =	sadd.s32 s26, s16;
	v62 =	vld [tilespmem:s22+$0x410];
	[tilespmem:s31+$0x0] =	vst v57  }
0x55: {  	v63 =	vld [tilespmem:s22+$0x420];
	s20 =	sadd.s32 $0x1, s20;
	s24 =	sadd.s32 s24, s30;
	[tilespmem:s31+$0x10] =	vst v58  }
0x56: {  	p2 =	sne.s32 s20, $0x8;
	v0 =	vld.idx.msk [tilespmem:v0+s24+$0x400 ss:$0x1], $0xffff;
	[tilespmem:s31+$0x20] =	vst v59  }
.Ltmp4:
0x57: {  	[tilespmem:s31+$0x30] =	vst v60;
	(pc) =	sbr.rel @p2 .LBB1_3-.Ltmp4, $4  }
0x58: {  	[tilespmem:s31+$0xFFFFFBF0] =	vst v61  }
0x59: {  	[tilespmem:s31+$0x40] =	vst v62  }
0x5a: {  	s21 =	sadd.s32 $0x800, s21;
	s14 =	sadd.s32 $0x800, s14;
	[tilespmem:s31+$0x50] =	vst v63  }
0x5b: {  	s19 =	sadd.s32 $0x80, s19;
	p1 =	por !p1, !p1;
	s15 =	sadd.s32 $0x80, s15;
	[tilespmem:s21+$0x0] =	vst v0  }
0x5c: {  	s14 =	sshll.u32 s11, $0x8;
	s31 =	sshll.u32 s11, $0x7  }
.Ltmp5:
0x5d: {  	s14 =	sand.u32 $0xF800, s14;
	s11 =	sand.u32 $0x380, s31;
	(pc) =	sbr.rel .LBB1_7-.Ltmp5, $4  }
0x5e: {  	s12 =	sshll.u32 s12, $0x10;
	s11 =	sor.u32 s11, s14  }
0x5f: {  	s12 =	sadd.s32 s2, s12;
	s11 =	sshrl.u32 s11, $0x3  }
0x60: {  	s11 =	sadd.s32 s11, s12  }
0x61: {  	[hbm4b:s11+s6] =	stream.strided.scatter [tilespmem:s13], [sflag:$0x2], $0x4000, s7, s6, $0x38;
	[tilespmem:$0x10000] =	vst v63  }
.LBB1_8:
0x62: {  	_ =	sfence.sel $0x180000  }
0x63: {  	s2 =	simm.s32 $0x1;
	[bflag:$0x0] =	sbarrier.arrive $0xFFFF  }
0x64: {  	s31 =	simm.s32 $0x2;
	[sflag:s2] =	ssyncpa.u1 $0x1  }
0x65: {  	[sflag:s31] =	ssyncpa.u1 $0x1  }
0x66: {  	p0 =	sne.s32 s1, $0x0;
	_ =	strace $0x9000004A  }
0x67: {  	s0 =	sadd.s32 @!p0 $0x100000, s0;
	[bflag:$0x2] =	sbarrier.arrive $0xFFFF  }
0x68: {  	[sflag:s0] =	ssyncadd.tile.s32 @!p0 $0x1;
	_ =	shalt  }
.Lfunc_end1:
_tile_overlayer_lowered:
.L_overlay_start_2:
0x69: {  	(tag) =	ssettag $0x2  }
0x6a: {  	s0 =	rddreg [dreg:$0x0];
	s2 =	stileid.u32  }
0x6b: {  	s1 =	rddreg [dreg:$0x1];
	p0 =	sne.s32 s2, $0x0  }
0x6c: {  	s3 =	rddreg [dreg:$0x2];
	[bflag:$0x3] =	sbarrier.arrive $0xFFFF;
	s2 =	simm.s32 @!p0 $0x1C01  }
0x6d: {  	[timem:s3], [sflag:s2] =	dma.local @!p0 [hbm:s0], s1  }
0x6e: {  	s0 =	simm.s32 @!p0 $0x1  }
0x6f: {  	_ =	swait.ge @!p0 [sflag:s0], s1  }
0x70: {  	s1 =	ssub.s32 @!p0 $0x0, s1;
	[sflag:s0] =	ssyncset.done @!p0 $0x0  }
0x71: {  	[sflag:s0] =	ssyncadd.s32 @!p0 s1  }
0x72: {  	[bflag:$0x3] =	sbarrier.arrive $0xFFFF  }
0x73: {  	_ =	shalt  }

</sc_bundles>
